<compile_context>
chip_gen: v7x
topology: tpu7x:2x2x1
jax: 0.10.2.dev20260603
libtpu: 0.0.44.dev20260713+nightly
codegen_flags: <defaults>
</compile_context>

<pallas_src>
import functools
import math

import jax
import jax.numpy as jnp
from jax import lax
from jax.experimental import pallas as pl
from jax.experimental.pallas import tpu as pltpu
from jax.experimental.pallas import tpu_sc as plsc

_NUM_WORKERS = 32
_LANES = 16


@functools.partial(jax.jit, static_argnums=(5, 6, 7))
def _sc_lookup(tokens_flat, pidx, token_table, persp_table, pe_slice, batch, seq, d):
    n = batch * seq
    rows_per_worker = batch // _NUM_WORKERS
    scale = math.sqrt(float(d))
    chunks = []
    off = 0
    while off < seq:
        sz = min(128, seq - off)
        chunks.append((off, sz))
        off += sz

    mesh = plsc.VectorSubcoreMesh(core_axis_name="c", subcore_axis_name="s")

    def body(tok_hbm, pidx_hbm, tab_hbm, persp_hbm, pe_hbm, out_hbm,
             idx_v, pidx_v, persp_v, addvec_v, rows_v, psem, gsem):
        cid = lax.axis_index("c")
        sid = lax.axis_index("s")
        wid = sid * 2 + cid

        pltpu.sync_copy(pe_hbm, addvec_v)
        pltpu.sync_copy(pidx_hbm, pidx_v)
        pltpu.async_copy(persp_hbm.at[pidx_v], persp_v, psem).wait()
        pregs = [persp_v[0, pl.ds(j * _LANES, _LANES)] for j in range(d // _LANES)]

        @pl.loop(0, seq)
        def _fold(s):
            for j in range(d // _LANES):
                sl = pl.ds(j * _LANES, _LANES)
                addvec_v[s, sl] = addvec_v[s, sl] + pregs[j]

        @pl.loop(0, rows_per_worker)
        def _row(b):
            r0 = (wid * rows_per_worker + b) * seq
            pltpu.sync_copy(tok_hbm.at[pl.ds(r0, seq)], idx_v)
            copies = [
                pltpu.async_copy(
                    tab_hbm.at[idx_v.at[pl.ds(coff, csz)]],
                    rows_v.at[pl.ds(coff, csz)],
                    gsem,
                )
                for coff, csz in chunks
            ]
            for c in copies:
                c.wait()

            @pl.loop(0, seq)
            def _fma(s):
                for j in range(d // _LANES):
                    sl = pl.ds(j * _LANES, _LANES)
                    rows_v[s, sl] = rows_v[s, sl] * scale + addvec_v[s, sl]

            pltpu.sync_copy(rows_v, out_hbm.at[pl.ds(r0, seq)])

    fn = pl.kernel(
        body,
        out_type=jax.ShapeDtypeStruct((n, d), jnp.float32),
        mesh=mesh,
        scratch_types=[
            pltpu.VMEM((seq,), jnp.int32),
            pltpu.VMEM((8,), jnp.int32),
            pltpu.VMEM((8, d), jnp.float32),
            pltpu.VMEM((seq, d), jnp.float32),
            pltpu.VMEM((seq, d), jnp.float32),
            pltpu.SemaphoreType.DMA,
            pltpu.SemaphoreType.DMA,
        ],
    )
    return fn(tokens_flat, pidx, token_table, persp_table, pe_slice)


def kernel(tokens, perspective, token_table, persp_table, pe):
    batch, seq = tokens.shape
    d = token_table.shape[1]
    tokens_flat = tokens.reshape(batch * seq)
    pe_slice = pe[0, :seq, :]
    pidx = jnp.full((8,), perspective, dtype=jnp.int32)
    out = _sc_lookup(tokens_flat, pidx, token_table, persp_table, pe_slice,
                     batch, seq, d)
    return out.reshape(batch, seq, d)

# --- scband reference (transcript-rebuilt; emitter-appended) ---
"""Pipeline reference for scband-perspective-embedding-73014444032183 (READ-ONLY COPY).

The authoritative reference and input builder live on the scoring server;
editing this copy changes nothing except your own understanding.
"""

import jax, jax.numpy as jnp
import numpy as np
import math


def _make_pe(max_len, d_model):
    pe = np.zeros((max_len, d_model), dtype=np.float32)
    position = np.arange(0, max_len, dtype=np.float32)[:, None]
    div_term = np.exp(np.arange(0, d_model, 2).astype(np.float32) * -(math.log(10000.0) / d_model))
    pe[:, 0::2] = np.sin(position * div_term)
    pe[:, 1::2] = np.cos(position * div_term)
    return jnp.asarray(pe[None, :, :])


def setup_inputs(seed: int = 0):
    key = jax.random.key(seed)
    k1, k2, k3 = jax.random.split(key, 3)
    tokens = jax.random.randint(k1, (1024, 200), 0, 100000, dtype=jnp.int32)
    token_table = jax.random.normal(k2, (100000, 128), dtype=jnp.float32)
    persp_table = jax.random.normal(k3, (3, 128), dtype=jnp.float32)
    pe = _make_pe(5000, 128)
    return {"tokens": tokens, "perspective": 1, "token_table": token_table, "persp_table": persp_table, "pe": pe}


def reference(tokens, perspective, token_table, persp_table, pe):
    d_model = token_table.shape[1]
    batch, seq_len = tokens.shape
    token_emb = jnp.take(token_table, tokens, axis=0) * math.sqrt(d_model)
    persp_ids = jnp.full((batch, seq_len), perspective, dtype=tokens.dtype)
    persp_emb = jnp.take(persp_table, persp_ids, axis=0)
    pos_emb = pe[:, :seq_len]
    embeddings = token_emb + persp_emb + pos_emb
    # dropout in eval mode is identity
    return embeddings

if __name__ == "__main__":
    import jax
    _d = setup_inputs()
    print(jax.jit(kernel)(*tuple(_d.values())))

</pallas_src>

<mosaic_0001>
#map = affine_map<(d0, d1) -> (0)>
#map1 = affine_map<(d0, d1) -> (0, 0)>
module attributes {stable_mosaic.version = 14 : i64} {
  func.func @body(%arg0: i32, %arg1: i32, %arg2: memref<204800xi32, #tpu.memory_space<hbm>>, %arg3: memref<8xi32, #tpu.memory_space<hbm>>, %arg4: memref<100000x128xf32, #tpu.memory_space<hbm>>, %arg5: memref<3x128xf32, #tpu.memory_space<hbm>>, %arg6: memref<200x128xf32, #tpu.memory_space<hbm>>, %arg7: memref<204800x128xf32, #tpu.memory_space<hbm>>, %arg8: memref<200xi32, #tpu.memory_space<vmem>>, %arg9: memref<8xi32, #tpu.memory_space<vmem>>, %arg10: memref<8x128xf32, #tpu.memory_space<vmem>>, %arg11: memref<200x128xf32, #tpu.memory_space<vmem>>, %arg12: memref<200x128xf32, #tpu.memory_space<vmem>>, %arg13: memref<!tpu.dma_semaphore, #tpu.memory_space<semaphore_mem>>, %arg14: memref<!tpu.dma_semaphore, #tpu.memory_space<semaphore_mem>>) attributes {dimension_semantics = [#tpu.dimension_semantics<core_parallel>, #tpu.dimension_semantics<subcore_parallel>], iteration_bounds = array<i64: 2, 16>, scalar_prefetch = 0 : i64, scratch_operands = 7 : i64, tpu.core_type = #tpu.core_type<sc_vector_subcore>, window_params = [{transform_indices = #map}, {transform_indices = #map}, {transform_indices = #map1}, {transform_indices = #map1}, {transform_indices = #map1}, {transform_indices = #map1}]} {
    %mul3A = arith.constant 2 : i32
    %mul3A_0 = arith.muli %arg1, %mul3A : i32
    %add3A = arith.addi %mul3A_0, %arg0 : i32
    "tpu.region"() ({
      %run_scoped3A = tpu.sem_alloc : memref<!tpu.dma_semaphore, #tpu.memory_space<semaphore_mem>>
      tpu.enqueue_dma source(%arg6 : memref<200x128xf32, #tpu.memory_space<hbm>>) target(%arg11 : memref<200x128xf32, #tpu.memory_space<vmem>>) target_semaphore(%run_scoped3A : memref<!tpu.dma_semaphore, #tpu.memory_space<semaphore_mem>>)
      tpu.wait_dma2 semaphore(%run_scoped3A : memref<!tpu.dma_semaphore, #tpu.memory_space<semaphore_mem>>) src(%arg6 : memref<200x128xf32, #tpu.memory_space<hbm>>) dst(%arg11 : memref<200x128xf32, #tpu.memory_space<vmem>>)
      tpu.yield
    }) : () -> ()
    "tpu.region"() ({
      %run_scoped3A = tpu.sem_alloc : memref<!tpu.dma_semaphore, #tpu.memory_space<semaphore_mem>>
      tpu.enqueue_dma source(%arg3 : memref<8xi32, #tpu.memory_space<hbm>>) target(%arg9 : memref<8xi32, #tpu.memory_space<vmem>>) target_semaphore(%run_scoped3A : memref<!tpu.dma_semaphore, #tpu.memory_space<semaphore_mem>>)
      tpu.wait_dma2 semaphore(%run_scoped3A : memref<!tpu.dma_semaphore, #tpu.memory_space<semaphore_mem>>) src(%arg3 : memref<8xi32, #tpu.memory_space<hbm>>) dst(%arg9 : memref<8xi32, #tpu.memory_space<vmem>>)
      tpu.yield
    }) : () -> ()
    %dma_start3A = arith.constant 0 : i32
    %dma_start3A_1 = arith.constant 0 : i32
    %dma_start3A_2 = tpu.memref_slice %arg5[%dma_start3A, %dma_start3A_1] : memref<3x128xf32, #tpu.memory_space<hbm>> -> memref<3x128xf32, #tpu.memory_space<hbm>>
    tpu.enqueue_indirect_dma source(%dma_start3A_2 : memref<3x128xf32, #tpu.memory_space<hbm>>) target(%arg10 : memref<8x128xf32, #tpu.memory_space<vmem>>) offsets(%arg9 : memref<8xi32, #tpu.memory_space<vmem>>) semaphore(%arg13 : memref<!tpu.dma_semaphore, #tpu.memory_space<semaphore_mem>>)
    %dma_wait3A = arith.constant 0 : i32
    %dma_wait3A_3 = arith.constant 0 : i32
    %dma_wait3A_4 = tpu.memref_slice %arg5[%dma_wait3A, %dma_wait3A_3] : memref<3x128xf32, #tpu.memory_space<hbm>> -> memref<3x128xf32, #tpu.memory_space<hbm>>
    tpu.wait_indirect_dma semaphore(%arg13 : memref<!tpu.dma_semaphore, #tpu.memory_space<semaphore_mem>>) src(%dma_wait3A_4 : memref<3x128xf32, #tpu.memory_space<hbm>>) dst(%arg10 : memref<8x128xf32, #tpu.memory_space<vmem>>)
    %get3A = arith.constant 0 : i32
    %get3A_5 = arith.index_cast %get3A : i32 to index
    %get3A_6 = arith.constant 0 : index
    %get3A_7 = tpu.vector_load %arg10[%get3A_5, %get3A_6] {strides = array<i32>} : memref<8x128xf32, #tpu.memory_space<vmem>>, vector<1x16xf32>,
    %get3A_8 = vector.shape_cast %get3A_7 : vector<1x16xf32> to vector<16xf32>
    %get3A_9 = arith.constant 0 : i32
    %get3A_10 = arith.index_cast %get3A_9 : i32 to index
    %get3A_11 = arith.constant 16 : index
    %get3A_12 = tpu.vector_load %arg10[%get3A_10, %get3A_11] {strides = array<i32>} : memref<8x128xf32, #tpu.memory_space<vmem>>, vector<1x16xf32>,
    %get3A_13 = vector.shape_cast %get3A_12 : vector<1x16xf32> to vector<16xf32>
    %get3A_14 = arith.constant 0 : i32
    %get3A_15 = arith.index_cast %get3A_14 : i32 to index
    %get3A_16 = arith.constant 32 : index
    %get3A_17 = tpu.vector_load %arg10[%get3A_15, %get3A_16] {strides = array<i32>} : memref<8x128xf32, #tpu.memory_space<vmem>>, vector<1x16xf32>,
    %get3A_18 = vector.shape_cast %get3A_17 : vector<1x16xf32> to vector<16xf32>
    %get3A_19 = arith.constant 0 : i32
    %get3A_20 = arith.index_cast %get3A_19 : i32 to index
    %get3A_21 = arith.constant 48 : index
    %get3A_22 = tpu.vector_load %arg10[%get3A_20, %get3A_21] {strides = array<i32>} : memref<8x128xf32, #tpu.memory_space<vmem>>, vector<1x16xf32>,
    %get3A_23 = vector.shape_cast %get3A_22 : vector<1x16xf32> to vector<16xf32>
    %get3A_24 = arith.constant 0 : i32
    %get3A_25 = arith.index_cast %get3A_24 : i32 to index
    %get3A_26 = arith.constant 64 : index
    %get3A_27 = tpu.vector_load %arg10[%get3A_25, %get3A_26] {strides = array<i32>} : memref<8x128xf32, #tpu.memory_space<vmem>>, vector<1x16xf32>,
    %get3A_28 = vector.shape_cast %get3A_27 : vector<1x16xf32> to vector<16xf32>
    %get3A_29 = arith.constant 0 : i32
    %get3A_30 = arith.index_cast %get3A_29 : i32 to index
    %get3A_31 = arith.constant 80 : index
    %get3A_32 = tpu.vector_load %arg10[%get3A_30, %get3A_31] {strides = array<i32>} : memref<8x128xf32, #tpu.memory_space<vmem>>, vector<1x16xf32>,
    %get3A_33 = vector.shape_cast %get3A_32 : vector<1x16xf32> to vector<16xf32>
    %get3A_34 = arith.constant 0 : i32
    %get3A_35 = arith.index_cast %get3A_34 : i32 to index
    %get3A_36 = arith.constant 96 : index
    %get3A_37 = tpu.vector_load %arg10[%get3A_35, %get3A_36] {strides = array<i32>} : memref<8x128xf32, #tpu.memory_space<vmem>>, vector<1x16xf32>,
    %get3A_38 = vector.shape_cast %get3A_37 : vector<1x16xf32> to vector<16xf32>
    %get3A_39 = arith.constant 0 : i32
    %get3A_40 = arith.index_cast %get3A_39 : i32 to index
    %get3A_41 = arith.constant 112 : index
    %get3A_42 = tpu.vector_load %arg10[%get3A_40, %get3A_41] {strides = array<i32>} : memref<8x128xf32, #tpu.memory_space<vmem>>, vector<1x16xf32>,
    %get3A_43 = vector.shape_cast %get3A_42 : vector<1x16xf32> to vector<16xf32>
    %scan3A = arith.constant 0 : i32
    %scan3A_44 = arith.constant 200 : i32
    %scan3A_45 = arith.addi %scan3A, %scan3A_44 : i32
    %scan3A_46 = arith.constant 1 : i32
    scf.for %scan3A_53 = %scan3A to %scan3A_45 step %scan3A_46  : i32 {
      %mul3A_54 = arith.constant 1 : i32
      %mul3A_55 = arith.muli %scan3A_53, %mul3A_54 : i32
      %add3A_56 = arith.constant 0 : i32
      %add3A_57 = arith.addi %add3A_56, %mul3A_55 : i32
      %get3A_58 = arith.index_cast %add3A_57 : i32 to index
      %get3A_59 = arith.constant 0 : index
      %get3A_60 = tpu.vector_load %arg11[%get3A_58, %get3A_59] {strides = array<i32>} : memref<200x128xf32, #tpu.memory_space<vmem>>, vector<1x16xf32>,
      %get3A_61 = vector.shape_cast %get3A_60 : vector<1x16xf32> to vector<16xf32>
      %add3A_62 = arith.addf %get3A_61, %get3A_8 : vector<16xf32>
      %swap3A = arith.index_cast %add3A_57 : i32 to index
      %swap3A_63 = arith.constant 0 : index
      %swap3A_64 = tpu.vector_load %arg11[%swap3A, %swap3A_63] {strides = array<i32>} : memref<200x128xf32, #tpu.memory_space<vmem>>, vector<1x16xf32>,
      %swap3A_65 = vector.shape_cast %swap3A_64 : vector<1x16xf32> to vector<16xf32>
      %swap3A_66 = vector.shape_cast %add3A_62 : vector<16xf32> to vector<1x16xf32>
      tpu.vector_store %arg11[%swap3A, %swap3A_63], %swap3A_66 {strides = array<i32>} : memref<200x128xf32, #tpu.memory_space<vmem>>, vector<1x16xf32>,
      %get3A_67 = arith.index_cast %add3A_57 : i32 to index
      %get3A_68 = arith.constant 16 : index
      %get3A_69 = tpu.vector_load %arg11[%get3A_67, %get3A_68] {strides = array<i32>} : memref<200x128xf32, #tpu.memory_space<vmem>>, vector<1x16xf32>,
      %get3A_70 = vector.shape_cast %get3A_69 : vector<1x16xf32> to vector<16xf32>
      %add3A_71 = arith.addf %get3A_70, %get3A_13 : vector<16xf32>
      %swap3A_72 = arith.index_cast %add3A_57 : i32 to index
      %swap3A_73 = arith.constant 16 : index
      %swap3A_74 = tpu.vector_load %arg11[%swap3A_72, %swap3A_73] {strides = array<i32>} : memref<200x128xf32, #tpu.memory_space<vmem>>, vector<1x16xf32>,
      %swap3A_75 = vector.shape_cast %swap3A_74 : vector<1x16xf32> to vector<16xf32>
      %swap3A_76 = vector.shape_cast %add3A_71 : vector<16xf32> to vector<1x16xf32>
      tpu.vector_store %arg11[%swap3A_72, %swap3A_73], %swap3A_76 {strides = array<i32>} : memref<200x128xf32, #tpu.memory_space<vmem>>, vector<1x16xf32>,
      %get3A_77 = arith.index_cast %add3A_57 : i32 to index
      %get3A_78 = arith.constant 32 : index
      %get3A_79 = tpu.vector_load %arg11[%get3A_77, %get3A_78] {strides = array<i32>} : memref<200x128xf32, #tpu.memory_space<vmem>>, vector<1x16xf32>,
      %get3A_80 = vector.shape_cast %get3A_79 : vector<1x16xf32> to vector<16xf32>
      %add3A_81 = arith.addf %get3A_80, %get3A_18 : vector<16xf32>
      %swap3A_82 = arith.index_cast %add3A_57 : i32 to index
      %swap3A_83 = arith.constant 32 : index
      %swap3A_84 = tpu.vector_load %arg11[%swap3A_82, %swap3A_83] {strides = array<i32>} : memref<200x128xf32, #tpu.memory_space<vmem>>, vector<1x16xf32>,
      %swap3A_85 = vector.shape_cast %swap3A_84 : vector<1x16xf32> to vector<16xf32>
      %swap3A_86 = vector.shape_cast %add3A_81 : vector<16xf32> to vector<1x16xf32>
      tpu.vector_store %arg11[%swap3A_82, %swap3A_83], %swap3A_86 {strides = array<i32>} : memref<200x128xf32, #tpu.memory_space<vmem>>, vector<1x16xf32>,
      %get3A_87 = arith.index_cast %add3A_57 : i32 to index
      %get3A_88 = arith.constant 48 : index
      %get3A_89 = tpu.vector_load %arg11[%get3A_87, %get3A_88] {strides = array<i32>} : memref<200x128xf32, #tpu.memory_space<vmem>>, vector<1x16xf32>,
      %get3A_90 = vector.shape_cast %get3A_89 : vector<1x16xf32> to vector<16xf32>
      %add3A_91 = arith.addf %get3A_90, %get3A_23 : vector<16xf32>
      %swap3A_92 = arith.index_cast %add3A_57 : i32 to index
      %swap3A_93 = arith.constant 48 : index
      %swap3A_94 = tpu.vector_load %arg11[%swap3A_92, %swap3A_93] {strides = array<i32>} : memref<200x128xf32, #tpu.memory_space<vmem>>, vector<1x16xf32>,
      %swap3A_95 = vector.shape_cast %swap3A_94 : vector<1x16xf32> to vector<16xf32>
      %swap3A_96 = vector.shape_cast %add3A_91 : vector<16xf32> to vector<1x16xf32>
      tpu.vector_store %arg11[%swap3A_92, %swap3A_93], %swap3A_96 {strides = array<i32>} : memref<200x128xf32, #tpu.memory_space<vmem>>, vector<1x16xf32>,
      %get3A_97 = arith.index_cast %add3A_57 : i32 to index
      %get3A_98 = arith.constant 64 : index
      %get3A_99 = tpu.vector_load %arg11[%get3A_97, %get3A_98] {strides = array<i32>} : memref<200x128xf32, #tpu.memory_space<vmem>>, vector<1x16xf32>,
      %get3A_100 = vector.shape_cast %get3A_99 : vector<1x16xf32> to vector<16xf32>
      %add3A_101 = arith.addf %get3A_100, %get3A_28 : vector<16xf32>
      %swap3A_102 = arith.index_cast %add3A_57 : i32 to index
      %swap3A_103 = arith.constant 64 : index
      %swap3A_104 = tpu.vector_load %arg11[%swap3A_102, %swap3A_103] {strides = array<i32>} : memref<200x128xf32, #tpu.memory_space<vmem>>, vector<1x16xf32>,
      %swap3A_105 = vector.shape_cast %swap3A_104 : vector<1x16xf32> to vector<16xf32>
      %swap3A_106 = vector.shape_cast %add3A_101 : vector<16xf32> to vector<1x16xf32>
      tpu.vector_store %arg11[%swap3A_102, %swap3A_103], %swap3A_106 {strides = array<i32>} : memref<200x128xf32, #tpu.memory_space<vmem>>, vector<1x16xf32>,
      %get3A_107 = arith.index_cast %add3A_57 : i32 to index
      %get3A_108 = arith.constant 80 : index
      %get3A_109 = tpu.vector_load %arg11[%get3A_107, %get3A_108] {strides = array<i32>} : memref<200x128xf32, #tpu.memory_space<vmem>>, vector<1x16xf32>,
      %get3A_110 = vector.shape_cast %get3A_109 : vector<1x16xf32> to vector<16xf32>
      %add3A_111 = arith.addf %get3A_110, %get3A_33 : vector<16xf32>
      %swap3A_112 = arith.index_cast %add3A_57 : i32 to index
      %swap3A_113 = arith.constant 80 : index
      %swap3A_114 = tpu.vector_load %arg11[%swap3A_112, %swap3A_113] {strides = array<i32>} : memref<200x128xf32, #tpu.memory_space<vmem>>, vector<1x16xf32>,
      %swap3A_115 = vector.shape_cast %swap3A_114 : vector<1x16xf32> to vector<16xf32>
      %swap3A_116 = vector.shape_cast %add3A_111 : vector<16xf32> to vector<1x16xf32>
      tpu.vector_store %arg11[%swap3A_112, %swap3A_113], %swap3A_116 {strides = array<i32>} : memref<200x128xf32, #tpu.memory_space<vmem>>, vector<1x16xf32>,
      %get3A_117 = arith.index_cast %add3A_57 : i32 to index
      %get3A_118 = arith.constant 96 : index
      %get3A_119 = tpu.vector_load %arg11[%get3A_117, %get3A_118] {strides = array<i32>} : memref<200x128xf32, #tpu.memory_space<vmem>>, vector<1x16xf32>,
      %get3A_120 = vector.shape_cast %get3A_119 : vector<1x16xf32> to vector<16xf32>
      %add3A_121 = arith.addf %get3A_120, %get3A_38 : vector<16xf32>
      %swap3A_122 = arith.index_cast %add3A_57 : i32 to index
      %swap3A_123 = arith.constant 96 : index
      %swap3A_124 = tpu.vector_load %arg11[%swap3A_122, %swap3A_123] {strides = array<i32>} : memref<200x128xf32, #tpu.memory_space<vmem>>, vector<1x16xf32>,
      %swap3A_125 = vector.shape_cast %swap3A_124 : vector<1x16xf32> to vector<16xf32>
      %swap3A_126 = vector.shape_cast %add3A_121 : vector<16xf32> to vector<1x16xf32>
      tpu.vector_store %arg11[%swap3A_122, %swap3A_123], %swap3A_126 {strides = array<i32>} : memref<200x128xf32, #tpu.memory_space<vmem>>, vector<1x16xf32>,
      %get3A_127 = arith.index_cast %add3A_57 : i32 to index
      %get3A_128 = arith.constant 112 : index
      %get3A_129 = tpu.vector_load %arg11[%get3A_127, %get3A_128] {strides = array<i32>} : memref<200x128xf32, #tpu.memory_space<vmem>>, vector<1x16xf32>,
      %get3A_130 = vector.shape_cast %get3A_129 : vector<1x16xf32> to vector<16xf32>
      %add3A_131 = arith.addf %get3A_130, %get3A_43 : vector<16xf32>
      %swap3A_132 = arith.index_cast %add3A_57 : i32 to index
      %swap3A_133 = arith.constant 112 : index
      %swap3A_134 = tpu.vector_load %arg11[%swap3A_132, %swap3A_133] {strides = array<i32>} : memref<200x128xf32, #tpu.memory_space<vmem>>, vector<1x16xf32>,
      %swap3A_135 = vector.shape_cast %swap3A_134 : vector<1x16xf32> to vector<16xf32>
      %swap3A_136 = vector.shape_cast %add3A_131 : vector<16xf32> to vector<1x16xf32>
      tpu.vector_store %arg11[%swap3A_132, %swap3A_133], %swap3A_136 {strides = array<i32>} : memref<200x128xf32, #tpu.memory_space<vmem>>, vector<1x16xf32>,
    }
    %scan3A_47 = arith.constant 200 : i32
    %scan3A_48 = arith.constant 0 : i32
    %scan3A_49 = arith.constant 32 : i32
    %scan3A_50 = arith.addi %scan3A_48, %scan3A_49 : i32
    %scan3A_51 = arith.constant 1 : i32
    scf.for %scan3A_53 = %scan3A_48 to %scan3A_50 step %scan3A_51  : i32 {
      %mul3A_54 = arith.constant 1 : i32
      %mul3A_55 = arith.muli %scan3A_53, %mul3A_54 : i32
      %add3A_56 = arith.constant 0 : i32
      %add3A_57 = arith.addi %add3A_56, %mul3A_55 : i32
      %mul3A_58 = arith.constant 32 : i32
      %mul3A_59 = arith.muli %add3A, %mul3A_58 : i32
      %add3A_60 = arith.addi %mul3A_59, %add3A_57 : i32
      %mul3A_61 = arith.constant 200 : i32
      %mul3A_62 = arith.muli %add3A_60, %mul3A_61 : i32
      "tpu.region"() ({
        %run_scoped3A = tpu.sem_alloc : memref<!tpu.dma_semaphore, #tpu.memory_space<semaphore_mem>>
        %dma_start3A_100 = tpu.memref_slice %arg2[%mul3A_62] : memref<204800xi32, #tpu.memory_space<hbm>> -> memref<200xi32, #tpu.memory_space<hbm>>
        %dma_start3A_101 = tpu.memref_slice %arg2[%mul3A_62] : memref<204800xi32, #tpu.memory_space<hbm>> -> memref<200xi32, #tpu.memory_space<hbm>>
        tpu.enqueue_dma source(%dma_start3A_101 : memref<200xi32, #tpu.memory_space<hbm>>) target(%arg8 : memref<200xi32, #tpu.memory_space<vmem>>) target_semaphore(%run_scoped3A : memref<!tpu.dma_semaphore, #tpu.memory_space<semaphore_mem>>)
        %dma_wait3A_102 = tpu.memref_slice %arg2[%mul3A_62] : memref<204800xi32, #tpu.memory_space<hbm>> -> memref<200xi32, #tpu.memory_space<hbm>>
        %dma_wait3A_103 = tpu.memref_slice %arg2[%mul3A_62] : memref<204800xi32, #tpu.memory_space<hbm>> -> memref<200xi32, #tpu.memory_space<hbm>>
        tpu.wait_dma2 semaphore(%run_scoped3A : memref<!tpu.dma_semaphore, #tpu.memory_space<semaphore_mem>>) src(%dma_wait3A_103 : memref<200xi32, #tpu.memory_space<hbm>>) dst(%arg8 : memref<200xi32, #tpu.memory_space<vmem>>)
        tpu.yield
      }) : () -> ()
      %dma_start3A_63 = arith.constant 0 : i32
      %dma_start3A_64 = arith.constant 0 : i32
      %dma_start3A_65 = tpu.memref_slice %arg12[%dma_start3A_63, %dma_start3A_64] : memref<200x128xf32, #tpu.memory_space<vmem>> -> memref<128x128xf32, #tpu.memory_space<vmem>>
      %dma_start3A_66 = arith.constant 0 : i32
      %dma_start3A_67 = tpu.memref_slice %arg8[%dma_start3A_66] : memref<200xi32, #tpu.memory_space<vmem>> -> memref<128xi32, #tpu.memory_space<vmem>>
      %dma_start3A_68 = arith.constant 0 : i32
      %dma_start3A_69 = arith.constant 0 : i32
      %dma_start3A_70 = tpu.memref_slice %arg4[%dma_start3A_68, %dma_start3A_69] : memref<100000x128xf32, #tpu.memory_space<hbm>> -> memref<100000x128xf32, #tpu.memory_space<hbm>>
      tpu.enqueue_indirect_dma source(%dma_start3A_70 : memref<100000x128xf32, #tpu.memory_space<hbm>>) target(%dma_start3A_65 : memref<128x128xf32, #tpu.memory_space<vmem>>) offsets(%dma_start3A_67 : memref<128xi32, #tpu.memory_space<vmem>>) semaphore(%arg14 : memref<!tpu.dma_semaphore, #tpu.memory_space<semaphore_mem>>)
      %dma_start3A_71 = arith.constant 128 : i32
      %dma_start3A_72 = arith.constant 0 : i32
      %dma_start3A_73 = tpu.memref_slice %arg12[%dma_start3A_71, %dma_start3A_72] : memref<200x128xf32, #tpu.memory_space<vmem>> -> memref<72x128xf32, #tpu.memory_space<vmem>>
      %dma_start3A_74 = arith.constant 128 : i32
      %dma_start3A_75 = tpu.memref_slice %arg8[%dma_start3A_74] : memref<200xi32, #tpu.memory_space<vmem>> -> memref<72xi32, #tpu.memory_space<vmem>>
      %dma_start3A_76 = arith.constant 0 : i32
      %dma_start3A_77 = arith.constant 0 : i32
      %dma_start3A_78 = tpu.memref_slice %arg4[%dma_start3A_76, %dma_start3A_77] : memref<100000x128xf32, #tpu.memory_space<hbm>> -> memref<100000x128xf32, #tpu.memory_space<hbm>>
      tpu.enqueue_indirect_dma source(%dma_start3A_78 : memref<100000x128xf32, #tpu.memory_space<hbm>>) target(%dma_start3A_73 : memref<72x128xf32, #tpu.memory_space<vmem>>) offsets(%dma_start3A_75 : memref<72xi32, #tpu.memory_space<vmem>>) semaphore(%arg14 : memref<!tpu.dma_semaphore, #tpu.memory_space<semaphore_mem>>)
      %dma_wait3A_79 = arith.constant 0 : i32
      %dma_wait3A_80 = arith.constant 0 : i32
      %dma_wait3A_81 = tpu.memref_slice %arg12[%dma_wait3A_79, %dma_wait3A_80] : memref<200x128xf32, #tpu.memory_space<vmem>> -> memref<128x128xf32, #tpu.memory_space<vmem>>
      %dma_wait3A_82 = arith.constant 0 : i32
      %dma_wait3A_83 = tpu.memref_slice %arg8[%dma_wait3A_82] : memref<200xi32, #tpu.memory_space<vmem>> -> memref<128xi32, #tpu.memory_space<vmem>>
      %dma_wait3A_84 = arith.constant 0 : i32
      %dma_wait3A_85 = arith.constant 0 : i32
      %dma_wait3A_86 = tpu.memref_slice %arg4[%dma_wait3A_84, %dma_wait3A_85] : memref<100000x128xf32, #tpu.memory_space<hbm>> -> memref<100000x128xf32, #tpu.memory_space<hbm>>
      tpu.wait_indirect_dma semaphore(%arg14 : memref<!tpu.dma_semaphore, #tpu.memory_space<semaphore_mem>>) src(%dma_wait3A_86 : memref<100000x128xf32, #tpu.memory_space<hbm>>) dst(%dma_wait3A_81 : memref<128x128xf32, #tpu.memory_space<vmem>>)
      %dma_wait3A_87 = arith.constant 128 : i32
      %dma_wait3A_88 = arith.constant 0 : i32
      %dma_wait3A_89 = tpu.memref_slice %arg12[%dma_wait3A_87, %dma_wait3A_88] : memref<200x128xf32, #tpu.memory_space<vmem>> -> memref<72x128xf32, #tpu.memory_space<vmem>>
      %dma_wait3A_90 = arith.constant 128 : i32
      %dma_wait3A_91 = tpu.memref_slice %arg8[%dma_wait3A_90] : memref<200xi32, #tpu.memory_space<vmem>> -> memref<72xi32, #tpu.memory_space<vmem>>
      %dma_wait3A_92 = arith.constant 0 : i32
      %dma_wait3A_93 = arith.constant 0 : i32
      %dma_wait3A_94 = tpu.memref_slice %arg4[%dma_wait3A_92, %dma_wait3A_93] : memref<100000x128xf32, #tpu.memory_space<hbm>> -> memref<100000x128xf32, #tpu.memory_space<hbm>>
      tpu.wait_indirect_dma semaphore(%arg14 : memref<!tpu.dma_semaphore, #tpu.memory_space<semaphore_mem>>) src(%dma_wait3A_94 : memref<100000x128xf32, #tpu.memory_space<hbm>>) dst(%dma_wait3A_89 : memref<72x128xf32, #tpu.memory_space<vmem>>)
      %scan3A_95 = arith.constant 0 : i32
      %scan3A_96 = arith.constant 200 : i32
      %scan3A_97 = arith.addi %scan3A_95, %scan3A_96 : i32
      %scan3A_98 = arith.constant 1 : i32
      scf.for %scan3A_100 = %scan3A_95 to %scan3A_97 step %scan3A_98  : i32 {
        %mul3A_101 = arith.constant 1 : i32
        %mul3A_102 = arith.muli %scan3A_100, %mul3A_101 : i32
        %add3A_103 = arith.constant 0 : i32
        %add3A_104 = arith.addi %add3A_103, %mul3A_102 : i32
        %get3A_105 = arith.index_cast %add3A_104 : i32 to index
        %get3A_106 = arith.constant 0 : index
        %get3A_107 = tpu.vector_load %arg12[%get3A_105, %get3A_106] {strides = array<i32>} : memref<200x128xf32, #tpu.memory_space<vmem>>, vector<1x16xf32>,
        %get3A_108 = vector.shape_cast %get3A_107 : vector<1x16xf32> to vector<16xf32>
        %mul3A_109 = arith.constant 11.3137083 : f32
        %mul3A_110 = vector.broadcast %mul3A_109 : f32 to vector<16xf32>
        %mul3A_111 = arith.mulf %get3A_108, %mul3A_110 : vector<16xf32>
        %get3A_112 = arith.index_cast %add3A_104 : i32 to index
        %get3A_113 = arith.constant 0 : index
        %get3A_114 = tpu.vector_load %arg11[%get3A_112, %get3A_113] {strides = array<i32>} : memref<200x128xf32, #tpu.memory_space<vmem>>, vector<1x16xf32>,
        %get3A_115 = vector.shape_cast %get3A_114 : vector<1x16xf32> to vector<16xf32>
        %add3A_116 = arith.addf %mul3A_111, %get3A_115 : vector<16xf32>
        %swap3A = arith.index_cast %add3A_104 : i32 to index
        %swap3A_117 = arith.constant 0 : index
        %swap3A_118 = tpu.vector_load %arg12[%swap3A, %swap3A_117] {strides = array<i32>} : memref<200x128xf32, #tpu.memory_space<vmem>>, vector<1x16xf32>,
        %swap3A_119 = vector.shape_cast %swap3A_118 : vector<1x16xf32> to vector<16xf32>
        %swap3A_120 = vector.shape_cast %add3A_116 : vector<16xf32> to vector<1x16xf32>
        tpu.vector_store %arg12[%swap3A, %swap3A_117], %swap3A_120 {strides = array<i32>} : memref<200x128xf32, #tpu.memory_space<vmem>>, vector<1x16xf32>,
        %get3A_121 = arith.index_cast %add3A_104 : i32 to index
        %get3A_122 = arith.constant 16 : index
        %get3A_123 = tpu.vector_load %arg12[%get3A_121, %get3A_122] {strides = array<i32>} : memref<200x128xf32, #tpu.memory_space<vmem>>, vector<1x16xf32>,
        %get3A_124 = vector.shape_cast %get3A_123 : vector<1x16xf32> to vector<16xf32>
        %mul3A_125 = arith.constant 11.3137083 : f32
        %mul3A_126 = vector.broadcast %mul3A_125 : f32 to vector<16xf32>
        %mul3A_127 = arith.mulf %get3A_124, %mul3A_126 : vector<16xf32>
        %get3A_128 = arith.index_cast %add3A_104 : i32 to index
        %get3A_129 = arith.constant 16 : index
        %get3A_130 = tpu.vector_load %arg11[%get3A_128, %get3A_129] {strides = array<i32>} : memref<200x128xf32, #tpu.memory_space<vmem>>, vector<1x16xf32>,
        %get3A_131 = vector.shape_cast %get3A_130 : vector<1x16xf32> to vector<16xf32>
        %add3A_132 = arith.addf %mul3A_127, %get3A_131 : vector<16xf32>
        %swap3A_133 = arith.index_cast %add3A_104 : i32 to index
        %swap3A_134 = arith.constant 16 : index
        %swap3A_135 = tpu.vector_load %arg12[%swap3A_133, %swap3A_134] {strides = array<i32>} : memref<200x128xf32, #tpu.memory_space<vmem>>, vector<1x16xf32>,
        %swap3A_136 = vector.shape_cast %swap3A_135 : vector<1x16xf32> to vector<16xf32>
        %swap3A_137 = vector.shape_cast %add3A_132 : vector<16xf32> to vector<1x16xf32>
        tpu.vector_store %arg12[%swap3A_133, %swap3A_134], %swap3A_137 {strides = array<i32>} : memref<200x128xf32, #tpu.memory_space<vmem>>, vector<1x16xf32>,
        %get3A_138 = arith.index_cast %add3A_104 : i32 to index
        %get3A_139 = arith.constant 32 : index
        %get3A_140 = tpu.vector_load %arg12[%get3A_138, %get3A_139] {strides = array<i32>} : memref<200x128xf32, #tpu.memory_space<vmem>>, vector<1x16xf32>,
        %get3A_141 = vector.shape_cast %get3A_140 : vector<1x16xf32> to vector<16xf32>
        %mul3A_142 = arith.constant 11.3137083 : f32
        %mul3A_143 = vector.broadcast %mul3A_142 : f32 to vector<16xf32>
        %mul3A_144 = arith.mulf %get3A_141, %mul3A_143 : vector<16xf32>
        %get3A_145 = arith.index_cast %add3A_104 : i32 to index
        %get3A_146 = arith.constant 32 : index
        %get3A_147 = tpu.vector_load %arg11[%get3A_145, %get3A_146] {strides = array<i32>} : memref<200x128xf32, #tpu.memory_space<vmem>>, vector<1x16xf32>,
        %get3A_148 = vector.shape_cast %get3A_147 : vector<1x16xf32> to vector<16xf32>
        %add3A_149 = arith.addf %mul3A_144, %get3A_148 : vector<16xf32>
        %swap3A_150 = arith.index_cast %add3A_104 : i32 to index
        %swap3A_151 = arith.constant 32 : index
        %swap3A_152 = tpu.vector_load %arg12[%swap3A_150, %swap3A_151] {strides = array<i32>} : memref<200x128xf32, #tpu.memory_space<vmem>>, vector<1x16xf32>,
        %swap3A_153 = vector.shape_cast %swap3A_152 : vector<1x16xf32> to vector<16xf32>
        %swap3A_154 = vector.shape_cast %add3A_149 : vector<16xf32> to vector<1x16xf32>
        tpu.vector_store %arg12[%swap3A_150, %swap3A_151], %swap3A_154 {strides = array<i32>} : memref<200x128xf32, #tpu.memory_space<vmem>>, vector<1x16xf32>,
        %get3A_155 = arith.index_cast %add3A_104 : i32 to index
        %get3A_156 = arith.constant 48 : index
        %get3A_157 = tpu.vector_load %arg12[%get3A_155, %get3A_156] {strides = array<i32>} : memref<200x128xf32, #tpu.memory_space<vmem>>, vector<1x16xf32>,
        %get3A_158 = vector.shape_cast %get3A_157 : vector<1x16xf32> to vector<16xf32>
        %mul3A_159 = arith.constant 11.3137083 : f32
        %mul3A_160 = vector.broadcast %mul3A_159 : f32 to vector<16xf32>
        %mul3A_161 = arith.mulf %get3A_158, %mul3A_160 : vector<16xf32>
        %get3A_162 = arith.index_cast %add3A_104 : i32 to index
        %get3A_163 = arith.constant 48 : index
        %get3A_164 = tpu.vector_load %arg11[%get3A_162, %get3A_163] {strides = array<i32>} : memref<200x128xf32, #tpu.memory_space<vmem>>, vector<1x16xf32>,
        %get3A_165 = vector.shape_cast %get3A_164 : vector<1x16xf32> to vector<16xf32>
        %add3A_166 = arith.addf %mul3A_161, %get3A_165 : vector<16xf32>
        %swap3A_167 = arith.index_cast %add3A_104 : i32 to index
        %swap3A_168 = arith.constant 48 : index
        %swap3A_169 = tpu.vector_load %arg12[%swap3A_167, %swap3A_168] {strides = array<i32>} : memref<200x128xf32, #tpu.memory_space<vmem>>, vector<1x16xf32>,
        %swap3A_170 = vector.shape_cast %swap3A_169 : vector<1x16xf32> to vector<16xf32>
        %swap3A_171 = vector.shape_cast %add3A_166 : vector<16xf32> to vector<1x16xf32>
        tpu.vector_store %arg12[%swap3A_167, %swap3A_168], %swap3A_171 {strides = array<i32>} : memref<200x128xf32, #tpu.memory_space<vmem>>, vector<1x16xf32>,
        %get3A_172 = arith.index_cast %add3A_104 : i32 to index
        %get3A_173 = arith.constant 64 : index
        %get3A_174 = tpu.vector_load %arg12[%get3A_172, %get3A_173] {strides = array<i32>} : memref<200x128xf32, #tpu.memory_space<vmem>>, vector<1x16xf32>,
        %get3A_175 = vector.shape_cast %get3A_174 : vector<1x16xf32> to vector<16xf32>
        %mul3A_176 = arith.constant 11.3137083 : f32
        %mul3A_177 = vector.broadcast %mul3A_176 : f32 to vector<16xf32>
        %mul3A_178 = arith.mulf %get3A_175, %mul3A_177 : vector<16xf32>
        %get3A_179 = arith.index_cast %add3A_104 : i32 to index
        %get3A_180 = arith.constant 64 : index
        %get3A_181 = tpu.vector_load %arg11[%get3A_179, %get3A_180] {strides = array<i32>} : memref<200x128xf32, #tpu.memory_space<vmem>>, vector<1x16xf32>,
        %get3A_182 = vector.shape_cast %get3A_181 : vector<1x16xf32> to vector<16xf32>
        %add3A_183 = arith.addf %mul3A_178, %get3A_182 : vector<16xf32>
        %swap3A_184 = arith.index_cast %add3A_104 : i32 to index
        %swap3A_185 = arith.constant 64 : index
        %swap3A_186 = tpu.vector_load %arg12[%swap3A_184, %swap3A_185] {strides = array<i32>} : memref<200x128xf32, #tpu.memory_space<vmem>>, vector<1x16xf32>,
        %swap3A_187 = vector.shape_cast %swap3A_186 : vector<1x16xf32> to vector<16xf32>
        %swap3A_188 = vector.shape_cast %add3A_183 : vector<16xf32> to vector<1x16xf32>
        tpu.vector_store %arg12[%swap3A_184, %swap3A_185], %swap3A_188 {strides = array<i32>} : memref<200x128xf32, #tpu.memory_space<vmem>>, vector<1x16xf32>,
        %get3A_189 = arith.index_cast %add3A_104 : i32 to index
        %get3A_190 = arith.constant 80 : index
        %get3A_191 = tpu.vector_load %arg12[%get3A_189, %get3A_190] {strides = array<i32>} : memref<200x128xf32, #tpu.memory_space<vmem>>, vector<1x16xf32>,
        %get3A_192 = vector.shape_cast %get3A_191 : vector<1x16xf32> to vector<16xf32>
        %mul3A_193 = arith.constant 11.3137083 : f32
        %mul3A_194 = vector.broadcast %mul3A_193 : f32 to vector<16xf32>
        %mul3A_195 = arith.mulf %get3A_192, %mul3A_194 : vector<16xf32>
        %get3A_196 = arith.index_cast %add3A_104 : i32 to index
        %get3A_197 = arith.constant 80 : index
        %get3A_198 = tpu.vector_load %arg11[%get3A_196, %get3A_197] {strides = array<i32>} : memref<200x128xf32, #tpu.memory_space<vmem>>, vector<1x16xf32>,
        %get3A_199 = vector.shape_cast %get3A_198 : vector<1x16xf32> to vector<16xf32>
        %add3A_200 = arith.addf %mul3A_195, %get3A_199 : vector<16xf32>
        %swap3A_201 = arith.index_cast %add3A_104 : i32 to index
        %swap3A_202 = arith.constant 80 : index
        %swap3A_203 = tpu.vector_load %arg12[%swap3A_201, %swap3A_202] {strides = array<i32>} : memref<200x128xf32, #tpu.memory_space<vmem>>, vector<1x16xf32>,
        %swap3A_204 = vector.shape_cast %swap3A_203 : vector<1x16xf32> to vector<16xf32>
        %swap3A_205 = vector.shape_cast %add3A_200 : vector<16xf32> to vector<1x16xf32>
        tpu.vector_store %arg12[%swap3A_201, %swap3A_202], %swap3A_205 {strides = array<i32>} : memref<200x128xf32, #tpu.memory_space<vmem>>, vector<1x16xf32>,
        %get3A_206 = arith.index_cast %add3A_104 : i32 to index
        %get3A_207 = arith.constant 96 : index
        %get3A_208 = tpu.vector_load %arg12[%get3A_206, %get3A_207] {strides = array<i32>} : memref<200x128xf32, #tpu.memory_space<vmem>>, vector<1x16xf32>,
        %get3A_209 = vector.shape_cast %get3A_208 : vector<1x16xf32> to vector<16xf32>
        %mul3A_210 = arith.constant 11.3137083 : f32
        %mul3A_211 = vector.broadcast %mul3A_210 : f32 to vector<16xf32>
        %mul3A_212 = arith.mulf %get3A_209, %mul3A_211 : vector<16xf32>
        %get3A_213 = arith.index_cast %add3A_104 : i32 to index
        %get3A_214 = arith.constant 96 : index
        %get3A_215 = tpu.vector_load %arg11[%get3A_213, %get3A_214] {strides = array<i32>} : memref<200x128xf32, #tpu.memory_space<vmem>>, vector<1x16xf32>,
        %get3A_216 = vector.shape_cast %get3A_215 : vector<1x16xf32> to vector<16xf32>
        %add3A_217 = arith.addf %mul3A_212, %get3A_216 : vector<16xf32>
        %swap3A_218 = arith.index_cast %add3A_104 : i32 to index
        %swap3A_219 = arith.constant 96 : index
        %swap3A_220 = tpu.vector_load %arg12[%swap3A_218, %swap3A_219] {strides = array<i32>} : memref<200x128xf32, #tpu.memory_space<vmem>>, vector<1x16xf32>,
        %swap3A_221 = vector.shape_cast %swap3A_220 : vector<1x16xf32> to vector<16xf32>
        %swap3A_222 = vector.shape_cast %add3A_217 : vector<16xf32> to vector<1x16xf32>
        tpu.vector_store %arg12[%swap3A_218, %swap3A_219], %swap3A_222 {strides = array<i32>} : memref<200x128xf32, #tpu.memory_space<vmem>>, vector<1x16xf32>,
        %get3A_223 = arith.index_cast %add3A_104 : i32 to index
        %get3A_224 = arith.constant 112 : index
        %get3A_225 = tpu.vector_load %arg12[%get3A_223, %get3A_224] {strides = array<i32>} : memref<200x128xf32, #tpu.memory_space<vmem>>, vector<1x16xf32>,
        %get3A_226 = vector.shape_cast %get3A_225 : vector<1x16xf32> to vector<16xf32>
        %mul3A_227 = arith.constant 11.3137083 : f32
        %mul3A_228 = vector.broadcast %mul3A_227 : f32 to vector<16xf32>
        %mul3A_229 = arith.mulf %get3A_226, %mul3A_228 : vector<16xf32>
        %get3A_230 = arith.index_cast %add3A_104 : i32 to index
        %get3A_231 = arith.constant 112 : index
        %get3A_232 = tpu.vector_load %arg11[%get3A_230, %get3A_231] {strides = array<i32>} : memref<200x128xf32, #tpu.memory_space<vmem>>, vector<1x16xf32>,
        %get3A_233 = vector.shape_cast %get3A_232 : vector<1x16xf32> to vector<16xf32>
        %add3A_234 = arith.addf %mul3A_229, %get3A_233 : vector<16xf32>
        %swap3A_235 = arith.index_cast %add3A_104 : i32 to index
        %swap3A_236 = arith.constant 112 : index
        %swap3A_237 = tpu.vector_load %arg12[%swap3A_235, %swap3A_236] {strides = array<i32>} : memref<200x128xf32, #tpu.memory_space<vmem>>, vector<1x16xf32>,
        %swap3A_238 = vector.shape_cast %swap3A_237 : vector<1x16xf32> to vector<16xf32>
        %swap3A_239 = vector.shape_cast %add3A_234 : vector<16xf32> to vector<1x16xf32>
        tpu.vector_store %arg12[%swap3A_235, %swap3A_236], %swap3A_239 {strides = array<i32>} : memref<200x128xf32, #tpu.memory_space<vmem>>, vector<1x16xf32>,
      }
      %scan3A_99 = arith.constant 200 : i32
      "tpu.region"() ({
        %run_scoped3A = tpu.sem_alloc : memref<!tpu.dma_semaphore, #tpu.memory_space<semaphore_mem>>
        %dma_start3A_100 = arith.constant 0 : i32
        %dma_start3A_101 = tpu.memref_slice %arg7[%mul3A_62, %dma_start3A_100] : memref<204800x128xf32, #tpu.memory_space<hbm>> -> memref<200x128xf32, #tpu.memory_space<hbm>>
        %dma_start3A_102 = arith.constant 0 : i32
        %dma_start3A_103 = tpu.memref_slice %arg7[%mul3A_62, %dma_start3A_102] : memref<204800x128xf32, #tpu.memory_space<hbm>> -> memref<200x128xf32, #tpu.memory_space<hbm>>
        tpu.enqueue_dma source(%arg12 : memref<200x128xf32, #tpu.memory_space<vmem>>) target(%dma_start3A_103 : memref<200x128xf32, #tpu.memory_space<hbm>>) target_semaphore(%run_scoped3A : memref<!tpu.dma_semaphore, #tpu.memory_space<semaphore_mem>>)
        %dma_wait3A_104 = arith.constant 0 : i32
        %dma_wait3A_105 = tpu.memref_slice %arg7[%mul3A_62, %dma_wait3A_104] : memref<204800x128xf32, #tpu.memory_space<hbm>> -> memref<200x128xf32, #tpu.memory_space<hbm>>
        %dma_wait3A_106 = arith.constant 0 : i32
        %dma_wait3A_107 = tpu.memref_slice %arg7[%mul3A_62, %dma_wait3A_106] : memref<204800x128xf32, #tpu.memory_space<hbm>> -> memref<200x128xf32, #tpu.memory_space<hbm>>
        tpu.wait_dma2 semaphore(%run_scoped3A : memref<!tpu.dma_semaphore, #tpu.memory_space<semaphore_mem>>) src(%arg12 : memref<200x128xf32, #tpu.memory_space<vmem>>) dst(%dma_wait3A_107 : memref<200x128xf32, #tpu.memory_space<hbm>>)
        tpu.yield
      }) : () -> ()
    }
    %scan3A_52 = arith.constant 32 : i32
    return
  }
}

</mosaic_0001>

<sc_bundles>
// kernel: _sc_lookup.3.cloned.1.call-start
scs
__scs_entry_jumppad:
0x0: {  	(pc) =	sbr.rel $0x88, $3  }
0x1: {  	(tag) =	ssettag $0x0;
	lr =	simm.s32 $0x1  }
0x2: {  	[smem:$0x3F9C] =	sst lr;
	_ =	strace $0xD0000000  }
0x3: {  	_ = 	snop  }
0x4: {  	_ = 	snop  }
0x5: {  	_ = 	snop  }
0x6: {  	_ = 	snop  }
0x7: {  	_ = 	snop  }
__scs_overlays_trampoline_lowered:
0x8: {  	[smem:$0x3FAB] =	sst s0  }
0x9: {  	[smem:$0x3FAC] =	sst s1  }
0xa: {  	[smem:$0x3FAD] =	sst s2  }
0xb: {  	[smem:$0x3FAE] =	sst s3  }
0xc: {  	[smem:$0x3FAF] =	sst s4  }
0xd: {  	[smem:$0x3FB0] =	sst s5  }
0xe: {  	[smem:$0x3FB1] =	sst s6  }
0xf: {  	[smem:$0x3FB2] =	sst s7  }
0x10: {  	[smem:$0x3FB3] =	sst s8  }
0x11: {  	[smem:$0x3FB4] =	sst s9;
	s0 =	simm.s32 @!p0 $0x0  }
0x12: {  	s1 =	sld [smem:$0x3F9A];
	s0 =	simm.s32 @p0 $0x1  }
0x13: {  	[smem:$0x3FB5] =	sst s0;
	s0 =	simm.s32 @!p1 $0x0  }
0x14: {  	s2 =	sld [smem:$0x3F99];
	s0 =	simm.s32 @p1 $0x1  }
0x15: {  	[smem:$0x3FB6] =	sst s0;
	s0 =	simm.s32 @!p2 $0x0  }
0x16: {  	s3 =	sld [smem:$0x3FDB];
	s0 =	simm.s32 @p2 $0x1  }
0x17: {  	s4 =	simm.s32 $0x1BF5;
	[smem:$0x3FB8] =	sst s0  }
0x18: {  	s0 =	sld [smem:$0x3F9B];
	_ =	swait.ge [sflag:s4], $0x0  }
0x19: {  	s7 =	sld [smem:$0x3F9C]  }
0x1a: {  	s8 =	sadd.s32 $0xFFFFE003, lr  }
0x1b: {  	s9 =	sadd.s32 $0xFFFFFEF7, lr;
	s5 =	simm.s32 $0xFFFFFFFF;
	p2 =	slt.u32 s8, $0xFFFFF086  }
0x1c: {  	p1 =	slt.u32 s9, $0xF7A;
	s5 =	simm.s32 @!p2 $0x0  }
0x1d: {  	s5 =	simm.s32 @p1 $0x1;
	p0 =	seq.s32 s7, s2  }
0x1e: {  	s7 =	smul.u32 @!p0 $0xF7A, s2;
	p2 =	seq.s32 @!p0 s5, $0x0  }
0x1f: {  	s9 =	smul.u32 $0xF7A, s1;
	s8 =	simm.s32 @!p0 $0x1BF5;
	p2 =	por !p2, p0  }
0x20: {  	[sflag:s8] =	ssyncset.s32 @!p0 $0xFFFFF086;
	s6 =	sadd.s32 @!p0 s3, s7;
	s7 =	simm.s32 @!p0 $0x108  }
0x21: {  	s3 =	sadd.s32 s3, s9;
	s6 =	sadd.s32 @!p0 $0x88, s6;
	s7 =	simm.s32 @p2 $0x1082  }
0x22: {  	[simem:s7], [sflag:s8] =	dma.local @!p0 [hbm:s6], $0xF7A  }
0x23: {  	s9 =	sor.u32 $0xD0000000, s2;
	s6 =	simm.s32 $0x108;
	_ =	swait.ge @!p0 [sflag:s8], $0x0  }
0x24: {  	s3 =	sadd.s32 $0x88, s3;
	s6 =	simm.s32 @!p1 $0x1082;
	[sflag:s4] =	ssyncset.s32 $0xFFFFF086  }
0x25: {  	[simem:s6], [sflag:s4] =	dma.local [hbm:s3], $0xF7A  }
0x26: {  	[smem:$0x3F9C] =	sst s1;
	(tag) =	ssettag s2;
	_ =	strace s9  }
0x27: {  	s1 =	sld [smem:$0x3FAC]  }
0x28: {  	s2 =	sld [smem:$0x3FAD]  }
0x29: {  	s4 =	sld [smem:$0x3FAF]  }
0x2a: {  	p0 =	seq.s32 s5, $0x0;
	s5 =	sld [smem:$0x3FB0]  }
0x2b: {  	s6 =	sld [smem:$0x3FB1]  }
0x2c: {  	s7 =	sld [smem:$0x3FB2]  }
0x2d: {  	s3 =	simm.s32 $0x108;
	s8 =	sld [smem:$0x3FB3]  }
0x2e: {  	s3 =	simm.s32 @!p0 $0x1082;
	s9 =	sld [smem:$0x3FB4]  }
0x2f: {  	lr =	sadd.s32 s0, s3;
	s0 =	sld [smem:$0x3FAB]  }
0x30: {  	s3 =	sld [smem:$0x3FAE]  }
0x31: {  	[smem:$0x3FB7] =	sst s10  }
0x32: {  	s10 =	sld [smem:$0x3FB5];
	_ =	sdelay $0x3  }
0x33: {  	p0 =	seq.s32 s10, $0x1;
	s10 =	sld [smem:$0x3FB7];
	_ =	sdelay $0x3  }
0x34: {  	[smem:$0x3FB7] =	sst s10  }
0x35: {  	s10 =	sld [smem:$0x3FB6];
	_ =	sdelay $0x3  }
0x36: {  	p1 =	seq.s32 s10, $0x1;
	s10 =	sld [smem:$0x3FB7];
	_ =	sdelay $0x3  }
0x37: {  	[smem:$0x3FB7] =	sst s10  }
0x38: {  	s10 =	sld [smem:$0x3FB8]  }
0x39: {  	_ = 	snop;
	(pc) =	sbr.ind lr, $3  }
0x3a: {  	_ = 	snop  }
0x3b: {  	_ = 	snop  }
0x3c: {  	p2 =	seq.s32 s10, $0x1;
	s10 =	sld [smem:$0x3FB7]  }
0x3d: {  	_ =	shalt  }
0x3e: {  	_ =	shalt  }
0x3f: {  	_ =	shalt  }
0x40: {  	_ =	shalt  }
0x41: {  	_ =	shalt  }
0x42: {  	_ =	shalt  }
0x43: {  	_ =	shalt  }
0x44: {  	_ =	shalt  }
0x45: {  	_ =	shalt  }
0x46: {  	_ =	shalt  }
0x47: {  	_ =	shalt  }
0x48: {  	_ =	shalt  }
0x49: {  	_ =	shalt  }
0x4a: {  	_ =	shalt  }
0x4b: {  	_ =	shalt  }
0x4c: {  	_ =	shalt  }
0x4d: {  	_ =	shalt  }
0x4e: {  	_ =	shalt  }
0x4f: {  	_ =	shalt  }
0x50: {  	_ =	shalt  }
0x51: {  	_ =	shalt  }
0x52: {  	_ =	shalt  }
0x53: {  	_ =	shalt  }
0x54: {  	_ =	shalt  }
0x55: {  	_ =	shalt  }
0x56: {  	_ =	shalt  }
0x57: {  	_ =	shalt  }
0x58: {  	_ =	shalt  }
0x59: {  	_ =	shalt  }
0x5a: {  	_ =	shalt  }
0x5b: {  	_ =	shalt  }
0x5c: {  	_ =	shalt  }
0x5d: {  	_ =	shalt  }
0x5e: {  	_ =	shalt  }
0x5f: {  	_ =	shalt  }
0x60: {  	_ =	shalt  }
0x61: {  	_ =	shalt  }
0x62: {  	_ =	shalt  }
0x63: {  	_ =	shalt  }
0x64: {  	_ =	shalt  }
0x65: {  	_ =	shalt  }
0x66: {  	_ =	shalt  }
0x67: {  	_ =	shalt  }
0x68: {  	_ =	shalt  }
0x69: {  	_ =	shalt  }
0x6a: {  	_ =	shalt  }
0x6b: {  	_ =	shalt  }
0x6c: {  	_ =	shalt  }
0x6d: {  	_ =	shalt  }
0x6e: {  	_ =	shalt  }
0x6f: {  	_ =	shalt  }
0x70: {  	_ =	shalt  }
0x71: {  	_ =	shalt  }
0x72: {  	_ =	shalt  }
0x73: {  	_ =	shalt  }
0x74: {  	_ =	shalt  }
0x75: {  	_ =	shalt  }
0x76: {  	_ =	shalt  }
0x77: {  	_ =	shalt  }
0x78: {  	_ =	shalt  }
0x79: {  	_ =	shalt  }
0x7a: {  	_ =	shalt  }
0x7b: {  	_ =	shalt  }
0x7c: {  	_ =	shalt  }
0x7d: {  	_ =	shalt  }
0x7e: {  	_ =	shalt  }
0x7f: {  	_ =	shalt  }
0x80: {  	_ =	shalt  }
0x81: {  	_ =	shalt  }
0x82: {  	_ =	shalt  }
0x83: {  	_ =	shalt  }
0x84: {  	_ =	shalt  }
0x85: {  	_ =	shalt  }
0x86: {  	_ =	shalt  }
0x87: {  	_ =	shalt  }
.Lfunc_end0:
.L_simem_size_0:
called_computation_lowered:
.L_overlay_start_0:
0x88: {  	s2 =	sld [smem:$0x3FD9]  }
0x89: {  	s3 =	sld [smem:$0x3FFE];
	_ =	sdelay $0x1  }
0x8a: {  	s1 =	srdreg.scid  }
0x8b: {  	s0 =	sand.u32 $0x1, s1  }
0x8c: {  	s18 =	sshll.u32 s0, $0xA;
	s2 =	sadd.s32 s3, s2  }
0x8d: {  	s2 =	sadd.s32 s2, s18  }
0x8e: {  	[smem:$0x3FC3] =	sst s2  }
0x8f: {  	_ = 	snop  }
0x90: {  	s2 =	sld [smem:$0x3FC9]  }
0x91: {  	s19 =	sld [smem:$0x3FC8]  }
0x92: {  	s4 =	sld [smem:$0x3FC7]  }
0x93: {  	s5 =	sld [smem:$0x3FC6]  }
0x94: {  	s6 =	sld [smem:$0x3FC5]  }
0x95: {  	s7 =	sld [smem:$0x3FD0];
	(tm) =	ssettm $0x1  }
0x96: {  	s8 =	sld [smem:$0x3FFB];
	_ =	sdelay $0x3  }
0x97: {  	_ =	strace s8  }
0x98: {  	s8 =	sld [smem:$0x3FFC];
	_ =	sdelay $0x3  }
0x99: {  	_ =	strace s8  }
0x9a: {  	s8 =	sld [smem:$0x3FFD];
	_ =	sdelay $0x3  }
0x9b: {  	_ =	strace s8  }
0x9c: {  	_ =	strace $0x8FFFFFFF  }
0x9d: {  	s20 =	sld [smem:$0x3FDB];
	_ =	sdelay $0x1  }
0x9e: {  	s9 =	simm.s32 $_scs_section_size  }
0x9f: {  	s10 =	simm.s32 $_size__tile_overlayer_lowered;
	s11 =	simm.s32 $_tile_overlayer_lowered  }
0xa0: {  	s23 =	simm.s32 $0x1BFF;
	s22 =	sshll.u32 s11, $0x1;
	s8 =	sadd.s32 s9, s20  }
0xa1: {  	s12 =	simm.s32 $0x0;
	s21 =	sshll.u32 s10, $0x1;
	s10 =	sadd.s32 s22, s8  }
0xa2: {  	[timem:s12], [sflag:s23] =	dma.local [hbm:s10], s21  }
0xa3: {  	_ =	swait.ge [sflag:s23], s21  }
0xa4: {  	s9 =	ssub.s32 $0x0, s21;
	[sflag:s23] =	ssyncset.done $0x0  }
0xa5: {  	[sflag:s23] =	ssyncadd.s32 s9;
	_ =	sdelay $0x1  }
0xa6: {  	s24 =	simm.s32 $0x1B8B  }
0xa7: {  	_ =	swait.ge [sflag:s24], $0x1  }
0xa8: {  	[sflag:s24] =	ssyncset.done $0x0  }
0xa9: {  	s25 =	simm.s32 $0x1B8E;
	[sflag:s24] =	ssyncadd.s32 $0xFFFFFFFF  }
0xaa: {  	s26 =	simm.s32 $execute0_lowered;
	[smem:$0x3FD2] =	sst s25  }
0xab: {  	s9 =	sshll.u32 s26, $0x1;
	_ =	strace $0x80000046;
	[dreg:$0x1] =	wrdreg $0xFFFFFFFF  }
0xac: {  	s28 =	simm.s32 $_size_execute0_lowered;
	s8 =	sadd.s32 s8, s9;
	[dreg:$0x0] =	wrdreg $0x0  }
0xad: {  	s9 =	sshll.u32 s28, $0x1;
	[dreg:$0x2] =	wrdreg s8  }
0xae: {  	[dreg:$0x3] =	wrdreg s9  }
0xaf: {  	[dreg:$0x4] =	wrdreg $0xC0  }
0xb0: {  	_ =	task [dreg:s12], $0x5FFFF  }
0xb1: {  	[dreg:$0x1] =	wrdreg $0xFFFFFFFF  }
0xb2: {  	[dreg:$0x0] =	wrdreg $0x60  }
0xb3: {  	[dreg:$0x2] =	wrdreg s2  }
0xb4: {  	[dreg:$0x3] =	wrdreg s19  }
0xb5: {  	[dreg:$0x4] =	wrdreg s4  }
0xb6: {  	[dreg:$0x5] =	wrdreg s5  }
0xb7: {  	[dreg:$0x6] =	wrdreg s6  }
0xb8: {  	[dreg:$0x7] =	wrdreg s7  }
0xb9: {  	[dreg:$0x8] =	wrdreg $0x9  }
0xba: {  	_ =	task.clear_ibuf [dreg:s12], $0x9FFFF;
	_ =	strace $0x90000046  }
0xbb: {  	s29 =	simm.s32 $0x9;
	_ =	strace $0x80000048  }
0xbc: {  	_ =	swait.ge [sflag:s29], $0x1  }
0xbd: {  	[sflag:s29] =	ssyncadd.s32 $0xFFFFFFFF  }
0xbe: {  	_ =	strace $0x90000048  }
0xbf: {  	_ =	sfence  }
0xc0: {  	s30 =	sld [smem:$0x0];
	_ =	sdelay $0x2  }
0xc1: {  	s31 =	sshll.u32 s1, $0xD;
	s1 =	sshrl.u32 s1, $0x2  }
0xc2: {  	s3 =	sand.u32 $0x4000, s31;
	s1 =	sadd.s32 s1, s30  }
0xc3: {  	s0 =	sor.u32 s3, s0;
	s1 =	sshll.u32 s1, $0x11  }
0xc4: {  	s0 =	sor.u32 s1, s0  }
0xc5: {  	s0 =	sadd.s32 $0x8F2B, s0  }
0xc6: {  	[sflag:s0] =	ssyncadd.remote.s32 $0x1  }
0xc7: {  	_ =	sfence.sel $0xFFFF  }
0xc8: {  	[dreg:$0x0] =	wrdreg $0xFFFFFFFF;
	(pc) =	sbr.abs _section_cstart, $3  }
0xc9: {  	[dreg:$0x1] =	wrdreg $0xFFFFFFFF  }
0xca: {  	_ =	task.clear_ibuf [dreg:s12], $0x2FFFF;
	_ =	strace $0x9FFFFFFF  }
0xcb: {  	(tm) =	ssettm $0x7FFFFFFF  }
tec
execute0_lowered:
.L_overlay_start_1:
0x0: {  	(tag) =	ssettag $0x1  }
0x1: {  	s0 =	rddreg [dreg:$0x0]  }
0x2: {  	s1 =	rddreg [dreg:$0x1]  }
0x3: {  	s3 =	rddreg [dreg:$0x2]  }
0x4: {  	s4 =	rddreg [dreg:$0x3]  }
0x5: {  	s5 =	rddreg [dreg:$0x4]  }
0x6: {  	s2 =	srdreg.scid;
	s6 =	rddreg [dreg:$0x5];
	s8 =	simm.s32 $0x0  }
0x7: {  	s7 =	stileid.u32;
	s12 =	simm.s32 $0x3;
	s13 =	simm.s32 $0x100  }
0x8: {  	s14 =	simm.s32 $0x8;
	s15 =	simm.s32 $0x180;
	s16 =	simm.s32 $0x1  }
0x9: {  	s17 =	simm.s32 $0x80;
	s18 =	simm.s32 $0x6980;
	s19 =	simm.s32 $0x48  }
0xa: {  	s20 =	simm.s32 $0xA980;
	s21 =	simm.s32 $0x2;
	s9 =	sand.u32 $0x1, s2  }
0xb: {  	s22 =	simm.s32 $0x0;
	s2 =	rddreg [dreg:$0x6];
	s10 =	ssub.s32 $0x2, s9  }
0xc: {  	[smem:$0x7FF] =	sst s8;
	s31 =	sshll.u32 s7, $0x6;
	s11 =	sshrl.u32 s10, $0x1  }
0xd: {  	s9 =	sshll.u32 s9, $0x5;
	_ =	strace $0x80000047;
	s10 =	ssub.s32 s10, s11  }
0xe: {  	s9 =	sor.u32 s9, s31;
	s11 =	simm.s32 $0x580;
	s10 =	smax.u32 s10, $0x1  }
.LBB2_1:
0xf: {  	[tilespmem:s11], [sflag:$0x3] =	stream.linear.gather [hbm4b:s5+s8], $0x6400, $0x38;
	[tilespmem:$0xCD80] =	vst v63  }
0x10: {  	_ =	swait.ge [sflag:s12], $0x6400  }
0x11: {  	[sflag:s12] =	ssyncset.done $0x0  }
0x12: {  	[sflag:s12] =	ssyncadd.s32 $0xFFFF9C00  }
0x13: {  	[tilespmem:s13], [sflag:$0x3] =	stream.linear.gather [hbm4b:s1+s8], $0x80, $0x38;
	[tilespmem:$0xCD80] =	vst v63  }
0x14: {  	_ =	swait.ge [sflag:s12], $0x80  }
0x15: {  	[sflag:s12] =	ssyncset.done $0x0  }
0x16: {  	[sflag:s12] =	ssyncadd.s32 $0xFFFFFF80  }
0x17: {  	[tilespmem:s15], [sflag:$0x1] =	stream.indirect.gather [hbm4b:s4+s14], $0x80, s13, s14, $0xb8;
	[tilespmem:$0xCD80] =	vst v63  }
0x18: {  	_ =	swait.ge [sflag:s16], $0x400  }
0x19: {  	[sflag:s16] =	ssyncset.done $0x0  }
0x1a: {  	[sflag:s16] =	ssyncadd.s32 $0xFFFFFC00  }
0x1b: {  	v6 =	vld [tilespmem:$0x180]  }
0x1c: {  	v7 =	vld [tilespmem:$0x190]  }
0x1d: {  	v5 =	vld [tilespmem:$0x1A0]  }
0x1e: {  	v4 =	vld [tilespmem:$0x1B0]  }
0x1f: {  	v3 =	vld [tilespmem:$0x1C0]  }
0x20: {  	v2 =	vld [tilespmem:$0x1D0]  }
0x21: {  	v1 =	vld [tilespmem:$0x1E0]  }
0x22: {  	s23 =	simm.s32 $0x0;
	v0 =	vld [tilespmem:$0x1F0]  }
0x23: {  	v11 =	vld [tilespmem:s23+$0x580]  }
0x24: {  	v13 =	vld [tilespmem:s23+$0x590]  }
0x25: {  	v12 =	vld [tilespmem:s23+$0x5A0]  }
0x26: {  	v10 =	vld [tilespmem:s23+$0x5B0]  }
0x27: {  	v8 =	vld [tilespmem:s23+$0x5C0]  }
0x28: {  	v9 =	vld [tilespmem:s23+$0x5D0];
	v14 =	vadd.f32 v11, v6  }
0x29: {  	s24 =	simm.s32 $0x200;
	v13 =	vadd.f32 v13, v7;
	v11 =	vld [tilespmem:s23+$0x5E0]  }
.LBB2_2:
0x2a: {  	s25 =	sshra.s32 s24, $0x2;
	p0 =	sne.s32 s24, $0x18E00;
	[tilespmem:s23+$0x580] =	vst v14;
	v12 =	vadd.f32 v12, v5;
	v14 =	vld [tilespmem:s23+$0x5F0]  }
0x2b: {  	v15 =	vld [tilespmem:s25+$0x580];
	[tilespmem:s23+$0x590] =	vst v13;
	v10 =	vadd.f32 v10, v4  }
0x2c: {  	v13 =	vld [tilespmem:s25+$0x590];
	[tilespmem:s23+$0x5A0] =	vst v12;
	v8 =	vadd.f32 v8, v3  }
.Ltmp0:
0x2d: {  	v12 =	vld [tilespmem:s25+$0x5A0];
	[tilespmem:s23+$0x5B0] =	vst v10;
	v9 =	vadd.f32 v9, v2;
	(pc) =	sbr.rel @p0 .LBB2_2-.Ltmp0, $4  }
0x2e: {  	v10 =	vld [tilespmem:s25+$0x5B0];
	[tilespmem:s23+$0x5C0] =	vst v8;
	v11 =	vadd.f32 v11, v1  }
0x2f: {  	v8 =	vld [tilespmem:s25+$0x5C0];
	[tilespmem:s23+$0x5D0] =	vst v9;
	v16 =	vadd.f32 v14, v0  }
0x30: {  	v14 =	vadd.f32 v15, v6;
	v9 =	vld [tilespmem:s25+$0x5D0];
	[tilespmem:s23+$0x5E0] =	vst v11  }
0x31: {  	s24 =	sadd.s32 $0x200, s24;
	v13 =	vadd.f32 v13, v7;
	v11 =	vld [tilespmem:s25+$0x5E0];
	[tilespmem:s23+$0x5F0] =	vst v16;
	s23 =	smov.u32 s25  }
0x32: {  	[tilespmem:s23+$0x580] =	vst v14;
	v5 =	vadd.f32 v12, v5;
	v6 =	vld [tilespmem:s23+$0x5F0]  }
0x33: {  	[tilespmem:s23+$0x590] =	vst v13;
	v4 =	vadd.f32 v10, v4  }
0x34: {  	[tilespmem:s23+$0x5A0] =	vst v5;
	v3 =	vadd.f32 v8, v3  }
0x35: {  	[tilespmem:s23+$0x5B0] =	vst v4;
	v2 =	vadd.f32 v9, v2  }
0x36: {  	[tilespmem:s23+$0x5C0] =	vst v3;
	v1 =	vadd.f32 v11, v1  }
0x37: {  	[tilespmem:s23+$0x5D0] =	vst v2;
	v0 =	vadd.f32 v6, v0  }
0x38: {  	[tilespmem:s23+$0x5E0] =	vst v1  }
0x39: {  	s24 =	simm.s32 $0x0;
	[tilespmem:s23+$0x5F0] =	vst v0;
	s23 =	simm.s32 $0x0  }
.LBB2_4:
0x3a: {  	s25 =	sadd.s32 s9, s24  }
0x3b: {  	s26 =	smul.u32 $0x19, s25;
	_ =	sdelay $0x1  }
0x3c: {  	s26 =	sadd.s32 s0, s26  }
0x3d: {  	[tilespmem:s23], [sflag:$0x3] =	stream.linear.gather [hbm4b:s26+s23], $0xC8, $0x38;
	[tilespmem:$0xCD80] =	vst v63  }
0x3e: {  	_ =	swait.ge [sflag:s12], $0xC8  }
0x3f: {  	[sflag:s12] =	ssyncset.done $0x0  }
0x40: {  	[sflag:s12] =	ssyncadd.s32 $0xFFFFFF38  }
0x41: {  	[tilespmem:s18], [sflag:$0x2] =	stream.indirect.gather [hbm4b:s3+s17], $0x80, s23, s17, $0xb8;
	[tilespmem:$0xCD80] =	vst v63  }
0x42: {  	_ = 	snop  }
0x43: {  	[tilespmem:s20], [sflag:$0x2] =	stream.indirect.gather [hbm4b:s3+s19], $0x80, s17, s19, $0xb8;
	[tilespmem:$0xCD80] =	vst v63  }
0x44: {  	_ =	swait.ge [sflag:s21], $0x4000  }
0x45: {  	[sflag:s21] =	ssyncset.done $0x0  }
0x46: {  	[sflag:s21] =	ssyncadd.s32 $0xFFFFC000  }
0x47: {  	_ =	swait.ge [sflag:s21], $0x2400  }
0x48: {  	[sflag:s21] =	ssyncset.done $0x0  }
0x49: {  	s26 =	simm.s32 $0x0;
	[sflag:s21] =	ssyncadd.s32 $0xFFFFDC00  }
0x4a: {  	v5 =	vld [tilespmem:s26+$0x580]  }
0x4b: {  	v4 =	vld [tilespmem:s26+$0x590]  }
0x4c: {  	v3 =	vld [tilespmem:s26+$0x5A0]  }
0x4d: {  	v2 =	vld [tilespmem:s26+$0x5B0]  }
0x4e: {  	v1 =	vld [tilespmem:s26+$0x5C0]  }
0x4f: {  	v0 =	vld [tilespmem:s26+$0x5D0]  }
0x50: {  	v6 =	vld [tilespmem:s26+$0x6980]  }
0x51: {  	v11 =	vld [tilespmem:s26+$0x6990]  }
0x52: {  	v10 =	vld [tilespmem:s26+$0x69A0]  }
0x53: {  	v9 =	vld [tilespmem:s26+$0x69B0]  }
0x54: {  	v8 =	vld [tilespmem:s26+$0x69C0]  }
0x55: {  	v7 =	vld [tilespmem:s26+$0x69D0];
	v12 =	vmul.f32 $1.131370830e+01, v6  }
0x56: {  	s28 =	simm.s32 $0x200;
	v11 =	vmul.f32 $1.131370830e+01, v11;
	v6 =	vld [tilespmem:s26+$0x69E0]  }
.LBB2_5:
0x57: {  	p0 =	sne.s32 s28, $0x18E00;
	v5 =	vadd.f32 v5, v12;
	v10 =	vmul.f32 $1.131370830e+01, v10;
	v12 =	vld [tilespmem:s26+$0x69F0]  }
0x58: {  	v4 =	vadd.f32 v4, v11;
	v9 =	vmul.f32 $1.131370830e+01, v9;
	v11 =	vld [tilespmem:s26+$0x5E0]  }
0x59: {  	s29 =	sshra.s32 s28, $0x2;
	[tilespmem:s26+$0x6980] =	vst v5;
	v3 =	vadd.f32 v3, v10;
	v8 =	vmul.f32 $1.131370830e+01, v8;
	v10 =	vld [tilespmem:s26+$0x5F0]  }
0x5a: {  	v5 =	vld [tilespmem:s29+$0x580];
	[tilespmem:s26+$0x6990] =	vst v4;
	v2 =	vadd.f32 v2, v9;
	v7 =	vmul.f32 $1.131370830e+01, v7  }
0x5b: {  	v4 =	vld [tilespmem:s29+$0x590];
	[tilespmem:s26+$0x69A0] =	vst v3;
	v1 =	vadd.f32 v1, v8;
	v6 =	vmul.f32 $1.131370830e+01, v6  }
0x5c: {  	v3 =	vld [tilespmem:s29+$0x5A0];
	[tilespmem:s26+$0x69B0] =	vst v2;
	v0 =	vadd.f32 v0, v7;
	v7 =	vmul.f32 $1.131370830e+01, v12  }
0x5d: {  	v2 =	vld [tilespmem:s29+$0x5B0];
	[tilespmem:s26+$0x69C0] =	vst v1;
	v6 =	vadd.f32 v11, v6  }
0x5e: {  	v1 =	vld [tilespmem:s29+$0x5C0];
	[tilespmem:s26+$0x69D0] =	vst v0;
	v7 =	vadd.f32 v10, v7  }
0x5f: {  	v0 =	vld [tilespmem:s29+$0x5D0];
	[tilespmem:s26+$0x69E0] =	vst v6  }
0x60: {  	v6 =	vld [tilespmem:s29+$0x6980];
	[tilespmem:s26+$0x69F0] =	vst v7;
	s26 =	smov.u32 s29  }
0x61: {  	v11 =	vld [tilespmem:s26+$0x6990]  }
.Ltmp1:
0x62: {  	v10 =	vld [tilespmem:s26+$0x69A0];
	(pc) =	sbr.rel @p0 .LBB2_5-.Ltmp1, $4  }
0x63: {  	v9 =	vld [tilespmem:s26+$0x69B0]  }
0x64: {  	v8 =	vld [tilespmem:s26+$0x69C0]  }
0x65: {  	v12 =	vmul.f32 $1.131370830e+01, v6;
	v7 =	vld [tilespmem:s26+$0x69D0]  }
0x66: {  	s28 =	sadd.s32 $0x200, s28;
	v11 =	vmul.f32 $1.131370830e+01, v11;
	v6 =	vld [tilespmem:s26+$0x69E0]  }
0x67: {  	v5 =	vadd.f32 v5, v12;
	v56 =	vld [tilespmem:s26+$0x69F0];
	v10 =	vmul.f32 $1.131370830e+01, v10  }
0x68: {  	v13 =	vld [tilespmem:s26+$0x5E0];
	v4 =	vadd.f32 v4, v11;
	v9 =	vmul.f32 $1.131370830e+01, v9  }
0x69: {  	v58 =	vld [tilespmem:s26+$0x5F0];
	[tilespmem:s26+$0x6980] =	vst v5;
	v3 =	vadd.f32 v3, v10;
	v57 =	vmul.f32 $1.131370830e+01, v8  }
0x6a: {  	[tilespmem:s26+$0x6990] =	vst v4;
	v2 =	vadd.f32 v2, v9;
	v59 =	vmul.f32 $1.131370830e+01, v7  }
0x6b: {  	[tilespmem:s26+$0x69A0] =	vst v3;
	v1 =	vadd.f32 v1, v57;
	v60 =	vmul.f32 $1.131370830e+01, v6  }
0x6c: {  	[tilespmem:s26+$0x69B0] =	vst v2;
	v0 =	vadd.f32 v0, v59;
	v61 =	vmul.f32 $1.131370830e+01, v56  }
0x6d: {  	[tilespmem:s26+$0x69C0] =	vst v1;
	v62 =	vadd.f32 v13, v60  }
0x6e: {  	s25 =	smul.u32 $0xC80, s25;
	s24 =	sadd.s32 $0x1, s24;
	[tilespmem:s26+$0x69D0] =	vst v0;
	v63 =	vadd.f32 v58, v61  }
0x6f: {  	p0 =	sne.s32 s24, $0x20;
	[tilespmem:s26+$0x69E0] =	vst v62  }
.Ltmp2:
0x70: {  	s25 =	sadd.s32 s6, s25;
	[tilespmem:s26+$0x69F0] =	vst v63;
	(pc) =	sbr.rel @p0 .LBB2_4-.Ltmp2, $4  }
0x71: {  	[hbm4b:s25+s8] =	stream.linear.scatter [tilespmem:s18], [sflag:$0x3], $0x6400, $0x38;
	[tilespmem:$0xCD80] =	vst v63  }
0x72: {  	_ =	swait.ge [sflag:s12], $0x6400  }
0x73: {  	[sflag:s12] =	ssyncset.done $0x0  }
0x74: {  	[sflag:s12] =	ssyncadd.s32 $0xFFFF9C00  }
0x75: {  	s22 =	sadd.s32 $0x1, s22  }
0x76: {  	p0 =	sne.s32 s22, s10  }
.Ltmp3:
0x77: {  	_ = 	snop;
	(pc) =	sbr.rel @p0 .LBB2_1-.Ltmp3, $1  }
0x78: {  	_ =	sdelay $0x3  }
0x79: {  	_ =	sfence.sel $0x180000  }
0x7a: {  	[bflag:$0x0] =	sbarrier.arrive $0xFFFF  }
0x7b: {  	p0 =	sne.s32 s7, $0x0;
	_ =	strace $0x90000047  }
0x7c: {  	s0 =	sadd.s32 @!p0 $0x100000, s2;
	[bflag:$0x2] =	sbarrier.arrive $0xFFFF  }
0x7d: {  	[sflag:s0] =	ssyncadd.tile.s32 @!p0 $0x1;
	_ =	shalt  }
.Lfunc_end2:
_tile_overlayer_lowered:
.L_overlay_start_2:
0x7e: {  	(tag) =	ssettag $0x2  }
0x7f: {  	s0 =	rddreg [dreg:$0x0];
	s2 =	stileid.u32  }
0x80: {  	s1 =	rddreg [dreg:$0x1];
	p0 =	sne.s32 s2, $0x0  }
0x81: {  	s3 =	rddreg [dreg:$0x2];
	[bflag:$0x3] =	sbarrier.arrive $0xFFFF;
	s2 =	simm.s32 @!p0 $0x1C03  }
0x82: {  	[timem:s3], [sflag:s2] =	dma.local @!p0 [hbm:s0], s1  }
0x83: {  	s0 =	simm.s32 @!p0 $0x3  }
0x84: {  	_ =	swait.ge @!p0 [sflag:s0], s1  }
0x85: {  	s1 =	ssub.s32 @!p0 $0x0, s1;
	[sflag:s0] =	ssyncset.done @!p0 $0x0  }
0x86: {  	[sflag:s0] =	ssyncadd.s32 @!p0 s1  }
0x87: {  	[bflag:$0x3] =	sbarrier.arrive $0xFFFF  }
0x88: {  	_ =	shalt  }

</sc_bundles>
